<compile_context>
chip_gen: v7x
topology: tpu7x:2x2x1
jax: 0.10.2.dev20260603
libtpu: 0.0.44.dev20260713+nightly
codegen_flags: <defaults>
</compile_context>

<pallas_src>
import functools

import jax
import jax.numpy as jnp
from jax import lax
from jax.experimental import pallas as pl
from jax.experimental.pallas import tpu as pltpu
from jax.experimental.pallas import tpu_sc as plsc

B = 4096
L = 50
D = 64
EPS = 1e-5

NC = 2
NS = 16
NW = NC * NS
BPW = B // NW
R = 128
NCHUNK = (BPW * L) // R


def _make_sc_pool():
    mesh = plsc.VectorSubcoreMesh(core_axis_name="c", subcore_axis_name="s")

    @functools.partial(
        pl.kernel,
        mesh=mesh,
        out_type=jax.ShapeDtypeStruct((B, D), jnp.float32),
        compiler_params=pltpu.CompilerParams(use_tc_tiling_on_sc=False),
        scratch_types=[
            pltpu.VMEM((NCHUNK, R), jnp.int32),
            pltpu.VMEM((NCHUNK, R), jnp.int32),
            pltpu.VMEM((R, D), jnp.float32),
            pltpu.VMEM((R, D), jnp.float32),
            pltpu.VMEM_SHARED((NS * BPW, D), jnp.float32),
            pltpu.SemaphoreType.DMA,
            pltpu.SemaphoreType.DMA,
        ],
    )
    def pool(x_hbm, dst_hbm, zeros_hbm, table_hbm, out_hbm,
             idx_v, dst_v, buf0, buf1, acc, sem0, sem1):
        cid = lax.axis_index("c")
        sid = lax.axis_index("s")
        wid = sid * NC + cid
        base = wid * BPW
        abase = sid * BPW

        pltpu.sync_copy(x_hbm.at[wid], idx_v)
        pltpu.sync_copy(dst_hbm.at[sid], dst_v)
        pltpu.sync_copy(zeros_hbm, acc.at[pl.ds(abase, BPW)])

        pltpu.async_copy(table_hbm.at[idx_v.at[0]], buf0, sem0).wait()

        def _step(h, c):
            c0 = 2 * h
            c1 = c0 + 1
            cp1 = pltpu.async_copy(table_hbm.at[idx_v.at[c1]], buf1, sem1)
            pltpu.sync_copy(buf0, acc.at[dst_v.at[c0]], add=True)
            cp1.wait()
            cp0 = pltpu.async_copy(table_hbm.at[idx_v.at[c1 + 1]], buf0, sem0)
            pltpu.sync_copy(buf1, acc.at[dst_v.at[c1]], add=True)
            cp0.wait()
            return c

        lax.fori_loop(0, NCHUNK // 2 - 1, _step, 0)

        cpl = pltpu.async_copy(table_hbm.at[idx_v.at[NCHUNK - 1]], buf1, sem1)
        pltpu.sync_copy(buf0, acc.at[dst_v.at[NCHUNK - 2]], add=True)
        cpl.wait()
        pltpu.sync_copy(buf1, acc.at[dst_v.at[NCHUNK - 1]], add=True)

        pltpu.sync_copy(acc.at[pl.ds(abase, BPW)], out_hbm.at[pl.ds(base, BPW)])

    return pool


_sc_pool = _make_sc_pool()


def _dense_body(s_ref, w_ref, b_ref, bg_ref, bb_ref, lg_ref, lb_ref, o_ref):
    pooled = s_ref[...] * (1.0 / L)
    h = lax.dot_general(
        pooled, w_ref[...], (((1,), (1,)), ((), ())),
        preferred_element_type=jnp.float32,
        precision=lax.Precision.HIGHEST,
    ) + b_ref[...]
    mu = jnp.mean(h, axis=0, keepdims=True)
    var = jnp.mean((h - mu) ** 2, axis=0, keepdims=True)
    hbn = (h - mu) / jnp.sqrt(var + EPS) * bg_ref[...] + bb_ref[...]
    m = jnp.mean(hbn, axis=1, keepdims=True)
    v = jnp.mean((hbn - m) ** 2, axis=1, keepdims=True)
    o_ref[...] = (hbn - m) / jnp.sqrt(v + EPS) * lg_ref[...] + lb_ref[...]


def _dense(sums, W, b, bn_gamma, bn_beta, ln_gamma, ln_beta):
    return pl.pallas_call(
        _dense_body,
        out_shape=jax.ShapeDtypeStruct((B, D), jnp.float32),
    )(sums, W, b.reshape(1, D), bn_gamma.reshape(1, D), bn_beta.reshape(1, D),
      ln_gamma.reshape(1, D), ln_beta.reshape(1, D))


def kernel(x, table, W, b, bn_gamma, bn_beta, ln_gamma, ln_beta):
    x_r = x.astype(jnp.int32).reshape(NW, NCHUNK, R)
    local = jnp.arange(BPW * L, dtype=jnp.int32) // L
    dst = (jnp.arange(NS, dtype=jnp.int32)[:, None] * BPW
           + local[None, :]).reshape(NS, NCHUNK, R)
    zeros = jnp.zeros((BPW, D), jnp.float32)
    sums = _sc_pool(x_r, dst, zeros, table)
    return _dense(sums, W, b, bn_gamma, bn_beta, ln_gamma, ln_beta)

# --- scband reference (transcript-rebuilt; emitter-appended) ---
"""Pipeline reference for scband-word-vector-generator-90701119357489 (READ-ONLY COPY).

The authoritative reference and input builder live on the scoring server;
editing this copy changes nothing except your own understanding.
"""

import jax, jax.numpy as jnp
import numpy as np

V = 1000000
D = 64
B = 4096
L = 50
EPS = 1e-5


def setup_inputs(seed: int = 0) -> dict:
    key = jax.random.key(seed)
    ks = jax.random.split(key, 4)
    return {
        "x": jax.random.randint(ks[0], (B, L), 0, V, dtype=jnp.int64) if jax.config.jax_enable_x64 else jax.random.randint(ks[0], (B, L), 0, V, dtype=jnp.int32),
        "table": jax.random.normal(ks[1], (V, D), dtype=jnp.float32),
        "W": jax.random.normal(ks[2], (D, D), dtype=jnp.float32) * (1.0 / np.sqrt(D)),
        "b": jnp.zeros((D,), dtype=jnp.float32),
        "bn_gamma": jnp.ones((D,), dtype=jnp.float32),
        "bn_beta": jnp.zeros((D,), dtype=jnp.float32),
        "ln_gamma": jnp.ones((D,), dtype=jnp.float32),
        "ln_beta": jnp.zeros((D,), dtype=jnp.float32),
    }


def reference(x, table, W, b, bn_gamma, bn_beta, ln_gamma, ln_beta):
    # nn.Embedding: gather rows
    emb = jnp.take(table, x, axis=0)            # [B, L, D]
    # AdaptiveAvgPool1d(1) on transpose(1,2) then squeeze(2) == mean over L
    pooled = jnp.mean(emb, axis=1)              # [B, D]
    # Linear
    h = pooled @ W.T + b                        # [B, D]
    # BatchNorm1d (training mode: batch statistics, biased variance)
    mu = jnp.mean(h, axis=0)
    var = jnp.mean((h - mu) ** 2, axis=0)
    hbn = (h - mu) / jnp.sqrt(var + EPS) * bn_gamma + bn_beta
    # LayerNorm over last dim
    m = jnp.mean(hbn, axis=-1, keepdims=True)
    v = jnp.mean((hbn - m) ** 2, axis=-1, keepdims=True)
    out = (hbn - m) / jnp.sqrt(v + EPS) * ln_gamma + ln_beta
    return out

if __name__ == "__main__":
    import jax
    _d = setup_inputs()
    print(jax.jit(kernel)(*tuple(_d.values())))

</pallas_src>

<mosaic_0001>
#map = affine_map<(d0, d1) -> (0, 0, 0)>
#map1 = affine_map<(d0, d1) -> (0, 0)>
module attributes {stable_mosaic.version = 14 : i64} {
  func.func @pool(%arg0: i32, %arg1: i32, %arg2: memref<32x50x128xi32, #tpu.memory_space<hbm>>, %arg3: memref<16x50x128xi32, #tpu.memory_space<hbm>>, %arg4: memref<128x64xf32, #tpu.memory_space<hbm>>, %arg5: memref<1000000x64xf32, #tpu.memory_space<hbm>>, %arg6: memref<4096x64xf32, #tpu.memory_space<hbm>>, %arg7: memref<50x128xi32, #tpu.memory_space<vmem>>, %arg8: memref<50x128xi32, #tpu.memory_space<vmem>>, %arg9: memref<128x64xf32, #tpu.memory_space<vmem>>, %arg10: memref<128x64xf32, #tpu.memory_space<vmem>>, %arg11: memref<2048x64xf32, #tpu.memory_space<vmem_shared>>, %arg12: memref<!tpu.dma_semaphore, #tpu.memory_space<semaphore_mem>>, %arg13: memref<!tpu.dma_semaphore, #tpu.memory_space<semaphore_mem>>) attributes {dimension_semantics = [#tpu.dimension_semantics<core_parallel>, #tpu.dimension_semantics<subcore_parallel>], iteration_bounds = array<i64: 2, 16>, scalar_prefetch = 0 : i64, scratch_operands = 7 : i64, tpu.core_type = #tpu.core_type<sc_vector_subcore>, window_params = [{transform_indices = #map}, {transform_indices = #map}, {transform_indices = #map1}, {transform_indices = #map1}, {transform_indices = #map1}]} {
    %mul3A = arith.constant 2 : i32
    %mul3A_0 = arith.muli %arg1, %mul3A : i32
    %add3A = arith.addi %mul3A_0, %arg0 : i32
    %mul3A_1 = arith.constant 128 : i32
    %mul3A_2 = arith.muli %add3A, %mul3A_1 : i32
    %mul3A_3 = arith.constant 128 : i32
    %mul3A_4 = arith.muli %arg1, %mul3A_3 : i32
    "tpu.region"() ({
      %run_scoped3A_37 = tpu.sem_alloc : memref<!tpu.dma_semaphore, #tpu.memory_space<semaphore_mem>>
      %dma_start3A_38 = arith.constant 0 : i32
      %dma_start3A_39 = arith.constant 0 : i32
      %dma_start3A_40 = tpu.memref_slice %arg2[%add3A, %dma_start3A_38, %dma_start3A_39] : memref<32x50x128xi32, #tpu.memory_space<hbm>> -> memref<1x50x128xi32, #tpu.memory_space<hbm>>
      %dma_start3A_41 = tpu.memref_squeeze %dma_start3A_40 : memref<1x50x128xi32, #tpu.memory_space<hbm>> -> memref<50x128xi32, #tpu.memory_space<hbm>>
      %dma_start3A_42 = arith.constant 0 : i32
      %dma_start3A_43 = arith.constant 0 : i32
      %dma_start3A_44 = tpu.memref_slice %arg2[%add3A, %dma_start3A_42, %dma_start3A_43] : memref<32x50x128xi32, #tpu.memory_space<hbm>> -> memref<1x50x128xi32, #tpu.memory_space<hbm>>
      %dma_start3A_45 = tpu.memref_squeeze %dma_start3A_44 : memref<1x50x128xi32, #tpu.memory_space<hbm>> -> memref<50x128xi32, #tpu.memory_space<hbm>>
      tpu.enqueue_dma source(%dma_start3A_45 : memref<50x128xi32, #tpu.memory_space<hbm>>) target(%arg7 : memref<50x128xi32, #tpu.memory_space<vmem>>) target_semaphore(%run_scoped3A_37 : memref<!tpu.dma_semaphore, #tpu.memory_space<semaphore_mem>>)
      %dma_wait3A_46 = arith.constant 0 : i32
      %dma_wait3A_47 = arith.constant 0 : i32
      %dma_wait3A_48 = tpu.memref_slice %arg2[%add3A, %dma_wait3A_46, %dma_wait3A_47] : memref<32x50x128xi32, #tpu.memory_space<hbm>> -> memref<1x50x128xi32, #tpu.memory_space<hbm>>
      %dma_wait3A_49 = tpu.memref_squeeze %dma_wait3A_48 : memref<1x50x128xi32, #tpu.memory_space<hbm>> -> memref<50x128xi32, #tpu.memory_space<hbm>>
      %dma_wait3A_50 = arith.constant 0 : i32
      %dma_wait3A_51 = arith.constant 0 : i32
      %dma_wait3A_52 = tpu.memref_slice %arg2[%add3A, %dma_wait3A_50, %dma_wait3A_51] : memref<32x50x128xi32, #tpu.memory_space<hbm>> -> memref<1x50x128xi32, #tpu.memory_space<hbm>>
      %dma_wait3A_53 = tpu.memref_squeeze %dma_wait3A_52 : memref<1x50x128xi32, #tpu.memory_space<hbm>> -> memref<50x128xi32, #tpu.memory_space<hbm>>
      tpu.wait_dma2 semaphore(%run_scoped3A_37 : memref<!tpu.dma_semaphore, #tpu.memory_space<semaphore_mem>>) src(%dma_wait3A_53 : memref<50x128xi32, #tpu.memory_space<hbm>>) dst(%arg7 : memref<50x128xi32, #tpu.memory_space<vmem>>)
      tpu.yield
    }) : () -> ()
    "tpu.region"() ({
      %run_scoped3A_37 = tpu.sem_alloc : memref<!tpu.dma_semaphore, #tpu.memory_space<semaphore_mem>>
      %dma_start3A_38 = arith.constant 0 : i32
      %dma_start3A_39 = arith.constant 0 : i32
      %dma_start3A_40 = tpu.memref_slice %arg3[%arg1, %dma_start3A_38, %dma_start3A_39] : memref<16x50x128xi32, #tpu.memory_space<hbm>> -> memref<1x50x128xi32, #tpu.memory_space<hbm>>
      %dma_start3A_41 = tpu.memref_squeeze %dma_start3A_40 : memref<1x50x128xi32, #tpu.memory_space<hbm>> -> memref<50x128xi32, #tpu.memory_space<hbm>>
      %dma_start3A_42 = arith.constant 0 : i32
      %dma_start3A_43 = arith.constant 0 : i32
      %dma_start3A_44 = tpu.memref_slice %arg3[%arg1, %dma_start3A_42, %dma_start3A_43] : memref<16x50x128xi32, #tpu.memory_space<hbm>> -> memref<1x50x128xi32, #tpu.memory_space<hbm>>
      %dma_start3A_45 = tpu.memref_squeeze %dma_start3A_44 : memref<1x50x128xi32, #tpu.memory_space<hbm>> -> memref<50x128xi32, #tpu.memory_space<hbm>>
      tpu.enqueue_dma source(%dma_start3A_45 : memref<50x128xi32, #tpu.memory_space<hbm>>) target(%arg8 : memref<50x128xi32, #tpu.memory_space<vmem>>) target_semaphore(%run_scoped3A_37 : memref<!tpu.dma_semaphore, #tpu.memory_space<semaphore_mem>>)
      %dma_wait3A_46 = arith.constant 0 : i32
      %dma_wait3A_47 = arith.constant 0 : i32
      %dma_wait3A_48 = tpu.memref_slice %arg3[%arg1, %dma_wait3A_46, %dma_wait3A_47] : memref<16x50x128xi32, #tpu.memory_space<hbm>> -> memref<1x50x128xi32, #tpu.memory_space<hbm>>
      %dma_wait3A_49 = tpu.memref_squeeze %dma_wait3A_48 : memref<1x50x128xi32, #tpu.memory_space<hbm>> -> memref<50x128xi32, #tpu.memory_space<hbm>>
      %dma_wait3A_50 = arith.constant 0 : i32
      %dma_wait3A_51 = arith.constant 0 : i32
      %dma_wait3A_52 = tpu.memref_slice %arg3[%arg1, %dma_wait3A_50, %dma_wait3A_51] : memref<16x50x128xi32, #tpu.memory_space<hbm>> -> memref<1x50x128xi32, #tpu.memory_space<hbm>>
      %dma_wait3A_53 = tpu.memref_squeeze %dma_wait3A_52 : memref<1x50x128xi32, #tpu.memory_space<hbm>> -> memref<50x128xi32, #tpu.memory_space<hbm>>
      tpu.wait_dma2 semaphore(%run_scoped3A_37 : memref<!tpu.dma_semaphore, #tpu.memory_space<semaphore_mem>>) src(%dma_wait3A_53 : memref<50x128xi32, #tpu.memory_space<hbm>>) dst(%arg8 : memref<50x128xi32, #tpu.memory_space<vmem>>)
      tpu.yield
    }) : () -> ()
    "tpu.region"() ({
      %run_scoped3A_37 = tpu.sem_alloc : memref<!tpu.dma_semaphore, #tpu.memory_space<semaphore_mem>>
      %dma_start3A_38 = arith.constant 0 : i32
      %dma_start3A_39 = tpu.memref_slice %arg11[%mul3A_4, %dma_start3A_38] : memref<2048x64xf32, #tpu.memory_space<vmem_shared>> -> memref<128x64xf32, #tpu.memory_space<vmem_shared>>
      tpu.enqueue_dma source(%arg4 : memref<128x64xf32, #tpu.memory_space<hbm>>) target(%dma_start3A_39 : memref<128x64xf32, #tpu.memory_space<vmem_shared>>) target_semaphore(%run_scoped3A_37 : memref<!tpu.dma_semaphore, #tpu.memory_space<semaphore_mem>>)
      %dma_wait3A_40 = arith.constant 0 : i32
      %dma_wait3A_41 = tpu.memref_slice %arg11[%mul3A_4, %dma_wait3A_40] : memref<2048x64xf32, #tpu.memory_space<vmem_shared>> -> memref<128x64xf32, #tpu.memory_space<vmem_shared>>
      tpu.wait_dma2 semaphore(%run_scoped3A_37 : memref<!tpu.dma_semaphore, #tpu.memory_space<semaphore_mem>>) src(%arg4 : memref<128x64xf32, #tpu.memory_space<hbm>>) dst(%dma_wait3A_41 : memref<128x64xf32, #tpu.memory_space<vmem_shared>>)
      tpu.yield
    }) : () -> ()
    %dma_start3A = arith.constant 0 : i32
    %dma_start3A_5 = arith.constant 0 : i32
    %dma_start3A_6 = tpu.memref_slice %arg7[%dma_start3A, %dma_start3A_5] : memref<50x128xi32, #tpu.memory_space<vmem>> -> memref<1x128xi32, #tpu.memory_space<vmem>>
    %dma_start3A_7 = tpu.memref_squeeze %dma_start3A_6 : memref<1x128xi32, #tpu.memory_space<vmem>> -> memref<128xi32, #tpu.memory_space<vmem>>
    %dma_start3A_8 = arith.constant 0 : i32
    %dma_start3A_9 = arith.constant 0 : i32
    %dma_start3A_10 = tpu.memref_slice %arg5[%dma_start3A_8, %dma_start3A_9] : memref<1000000x64xf32, #tpu.memory_space<hbm>> -> memref<1000000x64xf32, #tpu.memory_space<hbm>>
    tpu.enqueue_indirect_dma source(%dma_start3A_10 : memref<1000000x64xf32, #tpu.memory_space<hbm>>) target(%arg9 : memref<128x64xf32, #tpu.memory_space<vmem>>) offsets(%dma_start3A_7 : memref<128xi32, #tpu.memory_space<vmem>>) semaphore(%arg12 : memref<!tpu.dma_semaphore, #tpu.memory_space<semaphore_mem>>)
    %dma_wait3A = arith.constant 0 : i32
    %dma_wait3A_11 = arith.constant 0 : i32
    %dma_wait3A_12 = tpu.memref_slice %arg7[%dma_wait3A, %dma_wait3A_11] : memref<50x128xi32, #tpu.memory_space<vmem>> -> memref<1x128xi32, #tpu.memory_space<vmem>>
    %dma_wait3A_13 = tpu.memref_squeeze %dma_wait3A_12 : memref<1x128xi32, #tpu.memory_space<vmem>> -> memref<128xi32, #tpu.memory_space<vmem>>
    %dma_wait3A_14 = arith.constant 0 : i32
    %dma_wait3A_15 = arith.constant 0 : i32
    %dma_wait3A_16 = tpu.memref_slice %arg5[%dma_wait3A_14, %dma_wait3A_15] : memref<1000000x64xf32, #tpu.memory_space<hbm>> -> memref<1000000x64xf32, #tpu.memory_space<hbm>>
    tpu.wait_indirect_dma semaphore(%arg12 : memref<!tpu.dma_semaphore, #tpu.memory_space<semaphore_mem>>) src(%dma_wait3A_16 : memref<1000000x64xf32, #tpu.memory_space<hbm>>) dst(%arg9 : memref<128x64xf32, #tpu.memory_space<vmem>>)
    %scan3A = arith.constant 0 : i32
    %scan3A_17 = arith.constant 0 : i32
    %scan3A_18 = arith.constant 24 : i32
    %scan3A_19 = arith.addi %scan3A_17, %scan3A_18 : i32
    %scan3A_20 = arith.constant 1 : i32
    scf.for %scan3A_37 = %scan3A_17 to %scan3A_19 step %scan3A_20  : i32 {
      %mul3A_38 = arith.constant 2 : i32
      %mul3A_39 = arith.muli %mul3A_38, %scan3A_37 : i32
      %add3A_40 = arith.constant 1 : i32
      %add3A_41 = arith.addi %mul3A_39, %add3A_40 : i32
      %dma_start3A_42 = arith.constant 0 : i32
      %dma_start3A_43 = tpu.memref_slice %arg7[%add3A_41, %dma_start3A_42] : memref<50x128xi32, #tpu.memory_space<vmem>> -> memref<1x128xi32, #tpu.memory_space<vmem>>
      %dma_start3A_44 = tpu.memref_squeeze %dma_start3A_43 : memref<1x128xi32, #tpu.memory_space<vmem>> -> memref<128xi32, #tpu.memory_space<vmem>>
      %dma_start3A_45 = arith.constant 0 : i32
      %dma_start3A_46 = arith.constant 0 : i32
      %dma_start3A_47 = tpu.memref_slice %arg5[%dma_start3A_45, %dma_start3A_46] : memref<1000000x64xf32, #tpu.memory_space<hbm>> -> memref<1000000x64xf32, #tpu.memory_space<hbm>>
      tpu.enqueue_indirect_dma source(%dma_start3A_47 : memref<1000000x64xf32, #tpu.memory_space<hbm>>) target(%arg10 : memref<128x64xf32, #tpu.memory_space<vmem>>) offsets(%dma_start3A_44 : memref<128xi32, #tpu.memory_space<vmem>>) semaphore(%arg13 : memref<!tpu.dma_semaphore, #tpu.memory_space<semaphore_mem>>)
      "tpu.region"() ({
        %run_scoped3A_68 = tpu.sem_alloc : memref<!tpu.dma_semaphore, #tpu.memory_space<semaphore_mem>>
        %dma_start3A_69 = arith.constant 0 : i32
        %dma_start3A_70 = tpu.memref_slice %arg8[%mul3A_39, %dma_start3A_69] : memref<50x128xi32, #tpu.memory_space<vmem>> -> memref<1x128xi32, #tpu.memory_space<vmem>>
        %dma_start3A_71 = tpu.memref_squeeze %dma_start3A_70 : memref<1x128xi32, #tpu.memory_space<vmem>> -> memref<128xi32, #tpu.memory_space<vmem>>
        %dma_start3A_72 = arith.constant 0 : i32
        %dma_start3A_73 = arith.constant 0 : i32
        %dma_start3A_74 = tpu.memref_slice %arg11[%dma_start3A_72, %dma_start3A_73] : memref<2048x64xf32, #tpu.memory_space<vmem_shared>> -> memref<2048x64xf32, #tpu.memory_space<vmem_shared>>
        tpu.enqueue_indirect_dma source(%arg9 : memref<128x64xf32, #tpu.memory_space<vmem>>) target(%dma_start3A_74 : memref<2048x64xf32, #tpu.memory_space<vmem_shared>>) offsets(%dma_start3A_71 : memref<128xi32, #tpu.memory_space<vmem>>) semaphore(%run_scoped3A_68 : memref<!tpu.dma_semaphore, #tpu.memory_space<semaphore_mem>>) {add = true}
        %dma_wait3A_75 = arith.constant 0 : i32
        %dma_wait3A_76 = tpu.memref_slice %arg8[%mul3A_39, %dma_wait3A_75] : memref<50x128xi32, #tpu.memory_space<vmem>> -> memref<1x128xi32, #tpu.memory_space<vmem>>
        %dma_wait3A_77 = tpu.memref_squeeze %dma_wait3A_76 : memref<1x128xi32, #tpu.memory_space<vmem>> -> memref<128xi32, #tpu.memory_space<vmem>>
        %dma_wait3A_78 = arith.constant 0 : i32
        %dma_wait3A_79 = arith.constant 0 : i32
        %dma_wait3A_80 = tpu.memref_slice %arg11[%dma_wait3A_78, %dma_wait3A_79] : memref<2048x64xf32, #tpu.memory_space<vmem_shared>> -> memref<2048x64xf32, #tpu.memory_space<vmem_shared>>
        tpu.wait_indirect_dma semaphore(%run_scoped3A_68 : memref<!tpu.dma_semaphore, #tpu.memory_space<semaphore_mem>>) src(%arg9 : memref<128x64xf32, #tpu.memory_space<vmem>>) dst(%dma_wait3A_80 : memref<2048x64xf32, #tpu.memory_space<vmem_shared>>)
        tpu.yield
      }) : () -> ()
      %dma_wait3A_48 = arith.constant 0 : i32
      %dma_wait3A_49 = tpu.memref_slice %arg7[%add3A_41, %dma_wait3A_48] : memref<50x128xi32, #tpu.memory_space<vmem>> -> memref<1x128xi32, #tpu.memory_space<vmem>>
      %dma_wait3A_50 = tpu.memref_squeeze %dma_wait3A_49 : memref<1x128xi32, #tpu.memory_space<vmem>> -> memref<128xi32, #tpu.memory_space<vmem>>
      %dma_wait3A_51 = arith.constant 0 : i32
      %dma_wait3A_52 = arith.constant 0 : i32
      %dma_wait3A_53 = tpu.memref_slice %arg5[%dma_wait3A_51, %dma_wait3A_52] : memref<1000000x64xf32, #tpu.memory_space<hbm>> -> memref<1000000x64xf32, #tpu.memory_space<hbm>>
      tpu.wait_indirect_dma semaphore(%arg13 : memref<!tpu.dma_semaphore, #tpu.memory_space<semaphore_mem>>) src(%dma_wait3A_53 : memref<1000000x64xf32, #tpu.memory_space<hbm>>) dst(%arg10 : memref<128x64xf32, #tpu.memory_space<vmem>>)
      %add3A_54 = arith.constant 1 : i32
      %add3A_55 = arith.addi %add3A_41, %add3A_54 : i32
      %dma_start3A_56 = arith.constant 0 : i32
      %dma_start3A_57 = tpu.memref_slice %arg7[%add3A_55, %dma_start3A_56] : memref<50x128xi32, #tpu.memory_space<vmem>> -> memref<1x128xi32, #tpu.memory_space<vmem>>
      %dma_start3A_58 = tpu.memref_squeeze %dma_start3A_57 : memref<1x128xi32, #tpu.memory_space<vmem>> -> memref<128xi32, #tpu.memory_space<vmem>>
      %dma_start3A_59 = arith.constant 0 : i32
      %dma_start3A_60 = arith.constant 0 : i32
      %dma_start3A_61 = tpu.memref_slice %arg5[%dma_start3A_59, %dma_start3A_60] : memref<1000000x64xf32, #tpu.memory_space<hbm>> -> memref<1000000x64xf32, #tpu.memory_space<hbm>>
      tpu.enqueue_indirect_dma source(%dma_start3A_61 : memref<1000000x64xf32, #tpu.memory_space<hbm>>) target(%arg9 : memref<128x64xf32, #tpu.memory_space<vmem>>) offsets(%dma_start3A_58 : memref<128xi32, #tpu.memory_space<vmem>>) semaphore(%arg12 : memref<!tpu.dma_semaphore, #tpu.memory_space<semaphore_mem>>)
      "tpu.region"() ({
        %run_scoped3A_68 = tpu.sem_alloc : memref<!tpu.dma_semaphore, #tpu.memory_space<semaphore_mem>>
        %dma_start3A_69 = arith.constant 0 : i32
        %dma_start3A_70 = tpu.memref_slice %arg8[%add3A_41, %dma_start3A_69] : memref<50x128xi32, #tpu.memory_space<vmem>> -> memref<1x128xi32, #tpu.memory_space<vmem>>
        %dma_start3A_71 = tpu.memref_squeeze %dma_start3A_70 : memref<1x128xi32, #tpu.memory_space<vmem>> -> memref<128xi32, #tpu.memory_space<vmem>>
        %dma_start3A_72 = arith.constant 0 : i32
        %dma_start3A_73 = arith.constant 0 : i32
        %dma_start3A_74 = tpu.memref_slice %arg11[%dma_start3A_72, %dma_start3A_73] : memref<2048x64xf32, #tpu.memory_space<vmem_shared>> -> memref<2048x64xf32, #tpu.memory_space<vmem_shared>>
        tpu.enqueue_indirect_dma source(%arg10 : memref<128x64xf32, #tpu.memory_space<vmem>>) target(%dma_start3A_74 : memref<2048x64xf32, #tpu.memory_space<vmem_shared>>) offsets(%dma_start3A_71 : memref<128xi32, #tpu.memory_space<vmem>>) semaphore(%run_scoped3A_68 : memref<!tpu.dma_semaphore, #tpu.memory_space<semaphore_mem>>) {add = true}
        %dma_wait3A_75 = arith.constant 0 : i32
        %dma_wait3A_76 = tpu.memref_slice %arg8[%add3A_41, %dma_wait3A_75] : memref<50x128xi32, #tpu.memory_space<vmem>> -> memref<1x128xi32, #tpu.memory_space<vmem>>
        %dma_wait3A_77 = tpu.memref_squeeze %dma_wait3A_76 : memref<1x128xi32, #tpu.memory_space<vmem>> -> memref<128xi32, #tpu.memory_space<vmem>>
        %dma_wait3A_78 = arith.constant 0 : i32
        %dma_wait3A_79 = arith.constant 0 : i32
        %dma_wait3A_80 = tpu.memref_slice %arg11[%dma_wait3A_78, %dma_wait3A_79] : memref<2048x64xf32, #tpu.memory_space<vmem_shared>> -> memref<2048x64xf32, #tpu.memory_space<vmem_shared>>
        tpu.wait_indirect_dma semaphore(%run_scoped3A_68 : memref<!tpu.dma_semaphore, #tpu.memory_space<semaphore_mem>>) src(%arg10 : memref<128x64xf32, #tpu.memory_space<vmem>>) dst(%dma_wait3A_80 : memref<2048x64xf32, #tpu.memory_space<vmem_shared>>)
        tpu.yield
      }) : () -> ()
      %dma_wait3A_62 = arith.constant 0 : i32
      %dma_wait3A_63 = tpu.memref_slice %arg7[%add3A_55, %dma_wait3A_62] : memref<50x128xi32, #tpu.memory_space<vmem>> -> memref<1x128xi32, #tpu.memory_space<vmem>>
      %dma_wait3A_64 = tpu.memref_squeeze %dma_wait3A_63 : memref<1x128xi32, #tpu.memory_space<vmem>> -> memref<128xi32, #tpu.memory_space<vmem>>
      %dma_wait3A_65 = arith.constant 0 : i32
      %dma_wait3A_66 = arith.constant 0 : i32
      %dma_wait3A_67 = tpu.memref_slice %arg5[%dma_wait3A_65, %dma_wait3A_66] : memref<1000000x64xf32, #tpu.memory_space<hbm>> -> memref<1000000x64xf32, #tpu.memory_space<hbm>>
      tpu.wait_indirect_dma semaphore(%arg12 : memref<!tpu.dma_semaphore, #tpu.memory_space<semaphore_mem>>) src(%dma_wait3A_67 : memref<1000000x64xf32, #tpu.memory_space<hbm>>) dst(%arg9 : memref<128x64xf32, #tpu.memory_space<vmem>>)
    }
    %scan3A_21 = arith.constant 24 : i32
    %dma_start3A_22 = arith.constant 49 : i32
    %dma_start3A_23 = arith.constant 0 : i32
    %dma_start3A_24 = tpu.memref_slice %arg7[%dma_start3A_22, %dma_start3A_23] : memref<50x128xi32, #tpu.memory_space<vmem>> -> memref<1x128xi32, #tpu.memory_space<vmem>>
    %dma_start3A_25 = tpu.memref_squeeze %dma_start3A_24 : memref<1x128xi32, #tpu.memory_space<vmem>> -> memref<128xi32, #tpu.memory_space<vmem>>
    %dma_start3A_26 = arith.constant 0 : i32
    %dma_start3A_27 = arith.constant 0 : i32
    %dma_start3A_28 = tpu.memref_slice %arg5[%dma_start3A_26, %dma_start3A_27] : memref<1000000x64xf32, #tpu.memory_space<hbm>> -> memref<1000000x64xf32, #tpu.memory_space<hbm>>
    tpu.enqueue_indirect_dma source(%dma_start3A_28 : memref<1000000x64xf32, #tpu.memory_space<hbm>>) target(%arg10 : memref<128x64xf32, #tpu.memory_space<vmem>>) offsets(%dma_start3A_25 : memref<128xi32, #tpu.memory_space<vmem>>) semaphore(%arg13 : memref<!tpu.dma_semaphore, #tpu.memory_space<semaphore_mem>>)
    %run_scoped3A = arith.constant 48 : i32
    "tpu.region"() ({
      %run_scoped3A_37 = tpu.sem_alloc : memref<!tpu.dma_semaphore, #tpu.memory_space<semaphore_mem>>
      %dma_start3A_38 = arith.constant 0 : i32
      %dma_start3A_39 = tpu.memref_slice %arg8[%run_scoped3A, %dma_start3A_38] : memref<50x128xi32, #tpu.memory_space<vmem>> -> memref<1x128xi32, #tpu.memory_space<vmem>>
      %dma_start3A_40 = tpu.memref_squeeze %dma_start3A_39 : memref<1x128xi32, #tpu.memory_space<vmem>> -> memref<128xi32, #tpu.memory_space<vmem>>
      %dma_start3A_41 = arith.constant 0 : i32
      %dma_start3A_42 = arith.constant 0 : i32
      %dma_start3A_43 = tpu.memref_slice %arg11[%dma_start3A_41, %dma_start3A_42] : memref<2048x64xf32, #tpu.memory_space<vmem_shared>> -> memref<2048x64xf32, #tpu.memory_space<vmem_shared>>
      tpu.enqueue_indirect_dma source(%arg9 : memref<128x64xf32, #tpu.memory_space<vmem>>) target(%dma_start3A_43 : memref<2048x64xf32, #tpu.memory_space<vmem_shared>>) offsets(%dma_start3A_40 : memref<128xi32, #tpu.memory_space<vmem>>) semaphore(%run_scoped3A_37 : memref<!tpu.dma_semaphore, #tpu.memory_space<semaphore_mem>>) {add = true}
      %dma_wait3A_44 = arith.constant 0 : i32
      %dma_wait3A_45 = tpu.memref_slice %arg8[%run_scoped3A, %dma_wait3A_44] : memref<50x128xi32, #tpu.memory_space<vmem>> -> memref<1x128xi32, #tpu.memory_space<vmem>>
      %dma_wait3A_46 = tpu.memref_squeeze %dma_wait3A_45 : memref<1x128xi32, #tpu.memory_space<vmem>> -> memref<128xi32, #tpu.memory_space<vmem>>
      %dma_wait3A_47 = arith.constant 0 : i32
      %dma_wait3A_48 = arith.constant 0 : i32
      %dma_wait3A_49 = tpu.memref_slice %arg11[%dma_wait3A_47, %dma_wait3A_48] : memref<2048x64xf32, #tpu.memory_space<vmem_shared>> -> memref<2048x64xf32, #tpu.memory_space<vmem_shared>>
      tpu.wait_indirect_dma semaphore(%run_scoped3A_37 : memref<!tpu.dma_semaphore, #tpu.memory_space<semaphore_mem>>) src(%arg9 : memref<128x64xf32, #tpu.memory_space<vmem>>) dst(%dma_wait3A_49 : memref<2048x64xf32, #tpu.memory_space<vmem_shared>>)
      tpu.yield
    }) : () -> ()
    %dma_wait3A_29 = arith.constant 49 : i32
    %dma_wait3A_30 = arith.constant 0 : i32
    %dma_wait3A_31 = tpu.memref_slice %arg7[%dma_wait3A_29, %dma_wait3A_30] : memref<50x128xi32, #tpu.memory_space<vmem>> -> memref<1x128xi32, #tpu.memory_space<vmem>>
    %dma_wait3A_32 = tpu.memref_squeeze %dma_wait3A_31 : memref<1x128xi32, #tpu.memory_space<vmem>> -> memref<128xi32, #tpu.memory_space<vmem>>
    %dma_wait3A_33 = arith.constant 0 : i32
    %dma_wait3A_34 = arith.constant 0 : i32
    %dma_wait3A_35 = tpu.memref_slice %arg5[%dma_wait3A_33, %dma_wait3A_34] : memref<1000000x64xf32, #tpu.memory_space<hbm>> -> memref<1000000x64xf32, #tpu.memory_space<hbm>>
    tpu.wait_indirect_dma semaphore(%arg13 : memref<!tpu.dma_semaphore, #tpu.memory_space<semaphore_mem>>) src(%dma_wait3A_35 : memref<1000000x64xf32, #tpu.memory_space<hbm>>) dst(%arg10 : memref<128x64xf32, #tpu.memory_space<vmem>>)
    %run_scoped3A_36 = arith.constant 49 : i32
    "tpu.region"() ({
      %run_scoped3A_37 = tpu.sem_alloc : memref<!tpu.dma_semaphore, #tpu.memory_space<semaphore_mem>>
      %dma_start3A_38 = arith.constant 0 : i32
      %dma_start3A_39 = tpu.memref_slice %arg8[%run_scoped3A_36, %dma_start3A_38] : memref<50x128xi32, #tpu.memory_space<vmem>> -> memref<1x128xi32, #tpu.memory_space<vmem>>
      %dma_start3A_40 = tpu.memref_squeeze %dma_start3A_39 : memref<1x128xi32, #tpu.memory_space<vmem>> -> memref<128xi32, #tpu.memory_space<vmem>>
      %dma_start3A_41 = arith.constant 0 : i32
      %dma_start3A_42 = arith.constant 0 : i32
      %dma_start3A_43 = tpu.memref_slice %arg11[%dma_start3A_41, %dma_start3A_42] : memref<2048x64xf32, #tpu.memory_space<vmem_shared>> -> memref<2048x64xf32, #tpu.memory_space<vmem_shared>>
      tpu.enqueue_indirect_dma source(%arg10 : memref<128x64xf32, #tpu.memory_space<vmem>>) target(%dma_start3A_43 : memref<2048x64xf32, #tpu.memory_space<vmem_shared>>) offsets(%dma_start3A_40 : memref<128xi32, #tpu.memory_space<vmem>>) semaphore(%run_scoped3A_37 : memref<!tpu.dma_semaphore, #tpu.memory_space<semaphore_mem>>) {add = true}
      %dma_wait3A_44 = arith.constant 0 : i32
      %dma_wait3A_45 = tpu.memref_slice %arg8[%run_scoped3A_36, %dma_wait3A_44] : memref<50x128xi32, #tpu.memory_space<vmem>> -> memref<1x128xi32, #tpu.memory_space<vmem>>
      %dma_wait3A_46 = tpu.memref_squeeze %dma_wait3A_45 : memref<1x128xi32, #tpu.memory_space<vmem>> -> memref<128xi32, #tpu.memory_space<vmem>>
      %dma_wait3A_47 = arith.constant 0 : i32
      %dma_wait3A_48 = arith.constant 0 : i32
      %dma_wait3A_49 = tpu.memref_slice %arg11[%dma_wait3A_47, %dma_wait3A_48] : memref<2048x64xf32, #tpu.memory_space<vmem_shared>> -> memref<2048x64xf32, #tpu.memory_space<vmem_shared>>
      tpu.wait_indirect_dma semaphore(%run_scoped3A_37 : memref<!tpu.dma_semaphore, #tpu.memory_space<semaphore_mem>>) src(%arg10 : memref<128x64xf32, #tpu.memory_space<vmem>>) dst(%dma_wait3A_49 : memref<2048x64xf32, #tpu.memory_space<vmem_shared>>)
      tpu.yield
    }) : () -> ()
    "tpu.region"() ({
      %run_scoped3A_37 = tpu.sem_alloc : memref<!tpu.dma_semaphore, #tpu.memory_space<semaphore_mem>>
      %dma_start3A_38 = arith.constant 0 : i32
      %dma_start3A_39 = tpu.memref_slice %arg6[%mul3A_2, %dma_start3A_38] : memref<4096x64xf32, #tpu.memory_space<hbm>> -> memref<128x64xf32, #tpu.memory_space<hbm>>
      %dma_start3A_40 = arith.constant 0 : i32
      %dma_start3A_41 = tpu.memref_slice %arg11[%mul3A_4, %dma_start3A_40] : memref<2048x64xf32, #tpu.memory_space<vmem_shared>> -> memref<128x64xf32, #tpu.memory_space<vmem_shared>>
      tpu.enqueue_dma source(%dma_start3A_41 : memref<128x64xf32, #tpu.memory_space<vmem_shared>>) target(%dma_start3A_39 : memref<128x64xf32, #tpu.memory_space<hbm>>) target_semaphore(%run_scoped3A_37 : memref<!tpu.dma_semaphore, #tpu.memory_space<semaphore_mem>>)
      %dma_wait3A_42 = arith.constant 0 : i32
      %dma_wait3A_43 = tpu.memref_slice %arg6[%mul3A_2, %dma_wait3A_42] : memref<4096x64xf32, #tpu.memory_space<hbm>> -> memref<128x64xf32, #tpu.memory_space<hbm>>
      %dma_wait3A_44 = arith.constant 0 : i32
      %dma_wait3A_45 = tpu.memref_slice %arg11[%mul3A_4, %dma_wait3A_44] : memref<2048x64xf32, #tpu.memory_space<vmem_shared>> -> memref<128x64xf32, #tpu.memory_space<vmem_shared>>
      tpu.wait_dma2 semaphore(%run_scoped3A_37 : memref<!tpu.dma_semaphore, #tpu.memory_space<semaphore_mem>>) src(%dma_wait3A_45 : memref<128x64xf32, #tpu.memory_space<vmem_shared>>) dst(%dma_wait3A_43 : memref<128x64xf32, #tpu.memory_space<hbm>>)
      tpu.yield
    }) : () -> ()
    return
  }
}

module attributes {stable_mosaic.version = 14 : i64} {
  func.func @_dense_body(%arg0: memref<4096x64xf32, #tpu.memory_space<vmem>>, %arg1: memref<64x64xf32, #tpu.memory_space<vmem>>, %arg2: memref<1x64xf32, #tpu.memory_space<vmem>>, %arg3: memref<1x64xf32, #tpu.memory_space<vmem>>, %arg4: memref<1x64xf32, #tpu.memory_space<vmem>>, %arg5: memref<1x64xf32, #tpu.memory_space<vmem>>, %arg6: memref<1x64xf32, #tpu.memory_space<vmem>>, %arg7: memref<4096x64xf32, #tpu.memory_space<vmem>>) attributes {dimension_semantics = [], scalar_prefetch = 0 : i64, scratch_operands = 0 : i64, tpu.core_type = #tpu.core_type<tc>} {
    %get3A = arith.constant 0 : index
    %get3A_0 = arith.constant 0 : index
    %get3A_1 = vector.load %arg0[%get3A, %get3A_0] : memref<4096x64xf32, #tpu.memory_space<vmem>>, vector<4096x64xf32>
    %mul3A = arith.constant 2.000000e-02 : f32
    %mul3A_2 = vector.broadcast %mul3A : f32 to vector<4096x64xf32>
    %mul3A_3 = arith.mulf %get3A_1, %mul3A_2 : vector<4096x64xf32>
    %get3A_4 = arith.constant 0 : index
    %get3A_5 = arith.constant 0 : index
    %get3A_6 = vector.load %arg1[%get3A_4, %get3A_5] : memref<64x64xf32, #tpu.memory_space<vmem>>, vector<64x64xf32>
    %dot_general3A = arith.constant dense<0.000000e+00> : vector<4096x64xf32>
    %dot_general3A_7 = tpu.matmul %mul3A_3, %get3A_6, %dot_general3A {dimension_numbers = #tpu.dot_dimension_numbers<[1], [1], [0], [0], [0, 0, 1, 0], [], []>, precision = #tpu.contract_precision<fp32>, transpose_lhs_hint = false} : vector<4096x64xf32>, vector<64x64xf32>, vector<4096x64xf32> -> vector<4096x64xf32>
    %get3A_8 = arith.constant 0 : index
    %get3A_9 = arith.constant 0 : index
    %get3A_10 = vector.load %arg2[%get3A_8, %get3A_9] : memref<1x64xf32, #tpu.memory_space<vmem>>, vector<1x64xf32>
    %add3A = vector.broadcast %get3A_10 : vector<1x64xf32> to vector<4096x64xf32>
    %add3A_11 = arith.addf %dot_general3A_7, %add3A : vector<4096x64xf32>
    %reduce_sum3A = arith.constant dense<0.000000e+00> : vector<64xf32>
    %reduce_sum3A_12 = vector.multi_reduction <add>, %add3A_11, %reduce_sum3A [0] : vector<4096x64xf32> to vector<64xf32>
    %broadcast_in_dim3A = vector.shape_cast %reduce_sum3A_12 : vector<64xf32> to vector<1x64xf32>
    %div3A = arith.constant 4.096000e+03 : f32
    %div3A_13 = vector.broadcast %div3A : f32 to vector<1x64xf32>
    %div3A_14 = arith.divf %broadcast_in_dim3A, %div3A_13 : vector<1x64xf32>
    %sub3A = vector.broadcast %div3A_14 : vector<1x64xf32> to vector<4096x64xf32>
    %sub3A_15 = arith.subf %add3A_11, %sub3A : vector<4096x64xf32>
    %integer_pow3A = arith.mulf %sub3A_15, %sub3A_15 : vector<4096x64xf32>
    %reduce_sum3A_16 = arith.constant dense<0.000000e+00> : vector<64xf32>
    %reduce_sum3A_17 = vector.multi_reduction <add>, %integer_pow3A, %reduce_sum3A_16 [0] : vector<4096x64xf32> to vector<64xf32>
    %broadcast_in_dim3A_18 = vector.shape_cast %reduce_sum3A_17 : vector<64xf32> to vector<1x64xf32>
    %div3A_19 = arith.constant 4.096000e+03 : f32
    %div3A_20 = vector.broadcast %div3A_19 : f32 to vector<1x64xf32>
    %div3A_21 = arith.divf %broadcast_in_dim3A_18, %div3A_20 : vector<1x64xf32>
    %sub3A_22 = vector.broadcast %div3A_14 : vector<1x64xf32> to vector<4096x64xf32>
    %sub3A_23 = arith.subf %add3A_11, %sub3A_22 : vector<4096x64xf32>
    %add3A_24 = arith.constant 9.99999974E-6 : f32
    %add3A_25 = vector.broadcast %add3A_24 : f32 to vector<1x64xf32>
    %add3A_26 = arith.addf %div3A_21, %add3A_25 : vector<1x64xf32>
    %sqrt3A = math.sqrt %add3A_26 : vector<1x64xf32>
    %div3A_27 = vector.broadcast %sqrt3A : vector<1x64xf32> to vector<4096x64xf32>
    %div3A_28 = arith.divf %sub3A_23, %div3A_27 : vector<4096x64xf32>
    %get3A_29 = arith.constant 0 : index
    %get3A_30 = arith.constant 0 : index
    %get3A_31 = vector.load %arg3[%get3A_29, %get3A_30] : memref<1x64xf32, #tpu.memory_space<vmem>>, vector<1x64xf32>
    %mul3A_32 = vector.broadcast %get3A_31 : vector<1x64xf32> to vector<4096x64xf32>
    %mul3A_33 = arith.mulf %div3A_28, %mul3A_32 : vector<4096x64xf32>
    %get3A_34 = arith.constant 0 : index
    %get3A_35 = arith.constant 0 : index
    %get3A_36 = vector.load %arg4[%get3A_34, %get3A_35] : memref<1x64xf32, #tpu.memory_space<vmem>>, vector<1x64xf32>
    %add3A_37 = vector.broadcast %get3A_36 : vector<1x64xf32> to vector<4096x64xf32>
    %add3A_38 = arith.addf %mul3A_33, %add3A_37 : vector<4096x64xf32>
    %reduce_sum3A_39 = arith.constant dense<0.000000e+00> : vector<4096xf32>
    %reduce_sum3A_40 = vector.multi_reduction <add>, %add3A_38, %reduce_sum3A_39 [1] : vector<4096x64xf32> to vector<4096xf32>
    %broadcast_in_dim3A_41 = vector.shape_cast %reduce_sum3A_40 : vector<4096xf32> to vector<4096x1xf32>
    %div3A_42 = arith.constant 6.400000e+01 : f32
    %div3A_43 = vector.broadcast %div3A_42 : f32 to vector<4096x1xf32>
    %div3A_44 = arith.divf %broadcast_in_dim3A_41, %div3A_43 : vector<4096x1xf32>
    %sub3A_45 = vector.broadcast %div3A_44 : vector<4096x1xf32> to vector<4096x64xf32>
    %sub3A_46 = arith.subf %add3A_38, %sub3A_45 : vector<4096x64xf32>
    %integer_pow3A_47 = arith.mulf %sub3A_46, %sub3A_46 : vector<4096x64xf32>
    %reduce_sum3A_48 = arith.constant dense<0.000000e+00> : vector<4096xf32>
    %reduce_sum3A_49 = vector.multi_reduction <add>, %integer_pow3A_47, %reduce_sum3A_48 [1] : vector<4096x64xf32> to vector<4096xf32>
    %broadcast_in_dim3A_50 = vector.shape_cast %reduce_sum3A_49 : vector<4096xf32> to vector<4096x1xf32>
    %div3A_51 = arith.constant 6.400000e+01 : f32
    %div3A_52 = vector.broadcast %div3A_51 : f32 to vector<4096x1xf32>
    %div3A_53 = arith.divf %broadcast_in_dim3A_50, %div3A_52 : vector<4096x1xf32>
    %sub3A_54 = vector.broadcast %div3A_44 : vector<4096x1xf32> to vector<4096x64xf32>
    %sub3A_55 = arith.subf %add3A_38, %sub3A_54 : vector<4096x64xf32>
    %add3A_56 = arith.constant 9.99999974E-6 : f32
    %add3A_57 = vector.broadcast %add3A_56 : f32 to vector<4096x1xf32>
    %add3A_58 = arith.addf %div3A_53, %add3A_57 : vector<4096x1xf32>
    %sqrt3A_59 = math.sqrt %add3A_58 : vector<4096x1xf32>
    %div3A_60 = vector.broadcast %sqrt3A_59 : vector<4096x1xf32> to vector<4096x64xf32>
    %div3A_61 = arith.divf %sub3A_55, %div3A_60 : vector<4096x64xf32>
    %get3A_62 = arith.constant 0 : index
    %get3A_63 = arith.constant 0 : index
    %get3A_64 = vector.load %arg5[%get3A_62, %get3A_63] : memref<1x64xf32, #tpu.memory_space<vmem>>, vector<1x64xf32>
    %mul3A_65 = vector.broadcast %get3A_64 : vector<1x64xf32> to vector<4096x64xf32>
    %mul3A_66 = arith.mulf %div3A_61, %mul3A_65 : vector<4096x64xf32>
    %get3A_67 = arith.constant 0 : index
    %get3A_68 = arith.constant 0 : index
    %get3A_69 = vector.load %arg6[%get3A_67, %get3A_68] : memref<1x64xf32, #tpu.memory_space<vmem>>, vector<1x64xf32>
    %add3A_70 = vector.broadcast %get3A_69 : vector<1x64xf32> to vector<4096x64xf32>
    %add3A_71 = arith.addf %mul3A_66, %add3A_70 : vector<4096x64xf32>
    %swap3A = arith.constant 0 : index
    %swap3A_72 = arith.constant 0 : index
    %swap3A_73 = vector.load %arg7[%swap3A, %swap3A_72] : memref<4096x64xf32, #tpu.memory_space<vmem>>, vector<4096x64xf32>
    tpu.vector_store %arg7[%swap3A, %swap3A_72], %add3A_71 {strides = array<i32>} : memref<4096x64xf32, #tpu.memory_space<vmem>>, vector<4096x64xf32>,
    return
  }
}

</mosaic_0001>

<sc_bundles>
// kernel: kernel.4.cloned.1.call-start
scs
__scs_entry_jumppad:
0x0: {  	(pc) =	sbr.rel $0x88, $3  }
0x1: {  	(tag) =	ssettag $0x0;
	lr =	simm.s32 $0x1  }
0x2: {  	[smem:$0x3F99] =	sst lr;
	_ =	strace $0xD0000000  }
0x3: {  	_ = 	snop  }
0x4: {  	_ = 	snop  }
0x5: {  	_ = 	snop  }
0x6: {  	_ = 	snop  }
0x7: {  	_ = 	snop  }
__scs_overlays_trampoline_lowered:
0x8: {  	[smem:$0x3FA8] =	sst s0  }
0x9: {  	[smem:$0x3FA9] =	sst s1  }
0xa: {  	[smem:$0x3FAA] =	sst s2  }
0xb: {  	[smem:$0x3FAB] =	sst s3  }
0xc: {  	[smem:$0x3FAC] =	sst s4  }
0xd: {  	[smem:$0x3FAD] =	sst s5  }
0xe: {  	[smem:$0x3FAE] =	sst s6  }
0xf: {  	[smem:$0x3FAF] =	sst s7  }
0x10: {  	[smem:$0x3FB0] =	sst s8  }
0x11: {  	[smem:$0x3FB1] =	sst s9;
	s0 =	simm.s32 @!p0 $0x0  }
0x12: {  	s1 =	sld [smem:$0x3F97];
	s0 =	simm.s32 @p0 $0x1  }
0x13: {  	[smem:$0x3FB2] =	sst s0;
	s0 =	simm.s32 @!p1 $0x0  }
0x14: {  	s2 =	sld [smem:$0x3F96];
	s0 =	simm.s32 @p1 $0x1  }
0x15: {  	[smem:$0x3FB3] =	sst s0;
	s0 =	simm.s32 @!p2 $0x0  }
0x16: {  	s3 =	sld [smem:$0x3FDB];
	s0 =	simm.s32 @p2 $0x1  }
0x17: {  	s4 =	simm.s32 $0x1BF5;
	[smem:$0x3FB5] =	sst s0  }
0x18: {  	s0 =	sld [smem:$0x3F98];
	_ =	swait.ge [sflag:s4], $0x0  }
0x19: {  	s7 =	sld [smem:$0x3F99]  }
0x1a: {  	s8 =	sadd.s32 $0xFFFFE003, lr  }
0x1b: {  	s9 =	sadd.s32 $0xFFFFFEF7, lr;
	s5 =	simm.s32 $0xFFFFFFFF;
	p2 =	slt.u32 s8, $0xFFFFF086  }
0x1c: {  	p1 =	slt.u32 s9, $0xF7A;
	s5 =	simm.s32 @!p2 $0x0  }
0x1d: {  	s5 =	simm.s32 @p1 $0x1;
	p0 =	seq.s32 s7, s2  }
0x1e: {  	s7 =	smul.u32 @!p0 $0xF7A, s2;
	p2 =	seq.s32 @!p0 s5, $0x0  }
0x1f: {  	s9 =	smul.u32 $0xF7A, s1;
	s8 =	simm.s32 @!p0 $0x1BF5;
	p2 =	por !p2, p0  }
0x20: {  	[sflag:s8] =	ssyncset.s32 @!p0 $0xFFFFF086;
	s6 =	sadd.s32 @!p0 s3, s7;
	s7 =	simm.s32 @!p0 $0x108  }
0x21: {  	s3 =	sadd.s32 s3, s9;
	s6 =	sadd.s32 @!p0 $0x88, s6;
	s7 =	simm.s32 @p2 $0x1082  }
0x22: {  	[simem:s7], [sflag:s8] =	dma.local @!p0 [hbm:s6], $0xF7A  }
0x23: {  	s9 =	sor.u32 $0xD0000000, s2;
	s6 =	simm.s32 $0x108;
	_ =	swait.ge @!p0 [sflag:s8], $0x0  }
0x24: {  	s3 =	sadd.s32 $0x88, s3;
	s6 =	simm.s32 @!p1 $0x1082;
	[sflag:s4] =	ssyncset.s32 $0xFFFFF086  }
0x25: {  	[simem:s6], [sflag:s4] =	dma.local [hbm:s3], $0xF7A  }
0x26: {  	[smem:$0x3F99] =	sst s1;
	(tag) =	ssettag s2;
	_ =	strace s9  }
0x27: {  	s1 =	sld [smem:$0x3FA9]  }
0x28: {  	s2 =	sld [smem:$0x3FAA]  }
0x29: {  	s4 =	sld [smem:$0x3FAC]  }
0x2a: {  	p0 =	seq.s32 s5, $0x0;
	s5 =	sld [smem:$0x3FAD]  }
0x2b: {  	s6 =	sld [smem:$0x3FAE]  }
0x2c: {  	s7 =	sld [smem:$0x3FAF]  }
0x2d: {  	s3 =	simm.s32 $0x108;
	s8 =	sld [smem:$0x3FB0]  }
0x2e: {  	s3 =	simm.s32 @!p0 $0x1082;
	s9 =	sld [smem:$0x3FB1]  }
0x2f: {  	lr =	sadd.s32 s0, s3;
	s0 =	sld [smem:$0x3FA8]  }
0x30: {  	s3 =	sld [smem:$0x3FAB]  }
0x31: {  	[smem:$0x3FB4] =	sst s10  }
0x32: {  	s10 =	sld [smem:$0x3FB2];
	_ =	sdelay $0x3  }
0x33: {  	p0 =	seq.s32 s10, $0x1;
	s10 =	sld [smem:$0x3FB4];
	_ =	sdelay $0x3  }
0x34: {  	[smem:$0x3FB4] =	sst s10  }
0x35: {  	s10 =	sld [smem:$0x3FB3];
	_ =	sdelay $0x3  }
0x36: {  	p1 =	seq.s32 s10, $0x1;
	s10 =	sld [smem:$0x3FB4];
	_ =	sdelay $0x3  }
0x37: {  	[smem:$0x3FB4] =	sst s10  }
0x38: {  	s10 =	sld [smem:$0x3FB5]  }
0x39: {  	_ = 	snop;
	(pc) =	sbr.ind lr, $3  }
0x3a: {  	_ = 	snop  }
0x3b: {  	_ = 	snop  }
0x3c: {  	p2 =	seq.s32 s10, $0x1;
	s10 =	sld [smem:$0x3FB4]  }
0x3d: {  	_ =	shalt  }
0x3e: {  	_ =	shalt  }
0x3f: {  	_ =	shalt  }
0x40: {  	_ =	shalt  }
0x41: {  	_ =	shalt  }
0x42: {  	_ =	shalt  }
0x43: {  	_ =	shalt  }
0x44: {  	_ =	shalt  }
0x45: {  	_ =	shalt  }
0x46: {  	_ =	shalt  }
0x47: {  	_ =	shalt  }
0x48: {  	_ =	shalt  }
0x49: {  	_ =	shalt  }
0x4a: {  	_ =	shalt  }
0x4b: {  	_ =	shalt  }
0x4c: {  	_ =	shalt  }
0x4d: {  	_ =	shalt  }
0x4e: {  	_ =	shalt  }
0x4f: {  	_ =	shalt  }
0x50: {  	_ =	shalt  }
0x51: {  	_ =	shalt  }
0x52: {  	_ =	shalt  }
0x53: {  	_ =	shalt  }
0x54: {  	_ =	shalt  }
0x55: {  	_ =	shalt  }
0x56: {  	_ =	shalt  }
0x57: {  	_ =	shalt  }
0x58: {  	_ =	shalt  }
0x59: {  	_ =	shalt  }
0x5a: {  	_ =	shalt  }
0x5b: {  	_ =	shalt  }
0x5c: {  	_ =	shalt  }
0x5d: {  	_ =	shalt  }
0x5e: {  	_ =	shalt  }
0x5f: {  	_ =	shalt  }
0x60: {  	_ =	shalt  }
0x61: {  	_ =	shalt  }
0x62: {  	_ =	shalt  }
0x63: {  	_ =	shalt  }
0x64: {  	_ =	shalt  }
0x65: {  	_ =	shalt  }
0x66: {  	_ =	shalt  }
0x67: {  	_ =	shalt  }
0x68: {  	_ =	shalt  }
0x69: {  	_ =	shalt  }
0x6a: {  	_ =	shalt  }
0x6b: {  	_ =	shalt  }
0x6c: {  	_ =	shalt  }
0x6d: {  	_ =	shalt  }
0x6e: {  	_ =	shalt  }
0x6f: {  	_ =	shalt  }
0x70: {  	_ =	shalt  }
0x71: {  	_ =	shalt  }
0x72: {  	_ =	shalt  }
0x73: {  	_ =	shalt  }
0x74: {  	_ =	shalt  }
0x75: {  	_ =	shalt  }
0x76: {  	_ =	shalt  }
0x77: {  	_ =	shalt  }
0x78: {  	_ =	shalt  }
0x79: {  	_ =	shalt  }
0x7a: {  	_ =	shalt  }
0x7b: {  	_ =	shalt  }
0x7c: {  	_ =	shalt  }
0x7d: {  	_ =	shalt  }
0x7e: {  	_ =	shalt  }
0x7f: {  	_ =	shalt  }
0x80: {  	_ =	shalt  }
0x81: {  	_ =	shalt  }
0x82: {  	_ =	shalt  }
0x83: {  	_ =	shalt  }
0x84: {  	_ =	shalt  }
0x85: {  	_ =	shalt  }
0x86: {  	_ =	shalt  }
0x87: {  	_ =	shalt  }
.Lfunc_end0:
.L_simem_size_0:
called_computation_lowered:
.L_overlay_start_0:
0x88: {  	s2 =	sld [smem:$0x3FD9]  }
0x89: {  	s3 =	sld [smem:$0x3FFE];
	_ =	sdelay $0x1  }
0x8a: {  	s1 =	srdreg.scid  }
0x8b: {  	s0 =	sand.u32 $0x1, s1  }
0x8c: {  	s17 =	sshll.u32 s0, $0xA;
	s2 =	sadd.s32 s3, s2  }
0x8d: {  	s2 =	sadd.s32 s2, s17  }
0x8e: {  	[smem:$0x3FC0] =	sst s2  }
0x8f: {  	_ = 	snop  }
0x90: {  	s2 =	sld [smem:$0x3FD0];
	(tm) =	ssettm $0x1  }
0x91: {  	s18 =	sld [smem:$0x3FFB];
	_ =	sdelay $0x3  }
0x92: {  	_ =	strace s18  }
0x93: {  	s3 =	sld [smem:$0x3FFC];
	_ =	sdelay $0x3  }
0x94: {  	_ =	strace s3  }
0x95: {  	s3 =	sld [smem:$0x3FFD];
	_ =	sdelay $0x3  }
0x96: {  	_ =	strace s3  }
0x97: {  	_ =	strace $0x8FFFFFFF  }
0x98: {  	s19 =	sld [smem:$0x3FDB];
	_ =	sdelay $0x1  }
0x99: {  	s4 =	simm.s32 $_scs_section_size  }
0x9a: {  	s5 =	simm.s32 $_size__tile_overlayer_lowered;
	s6 =	simm.s32 $_tile_overlayer_lowered  }
0x9b: {  	s22 =	simm.s32 $0x1BFF;
	s21 =	sshll.u32 s6, $0x1;
	s3 =	sadd.s32 s4, s19  }
0x9c: {  	s7 =	simm.s32 $0x0;
	s20 =	sshll.u32 s5, $0x1;
	s5 =	sadd.s32 s21, s3  }
0x9d: {  	[timem:s7], [sflag:s22] =	dma.local [hbm:s5], s20  }
0x9e: {  	_ =	swait.ge [sflag:s22], s20  }
0x9f: {  	s4 =	ssub.s32 $0x0, s20;
	[sflag:s22] =	ssyncset.done $0x0  }
0xa0: {  	[sflag:s22] =	ssyncadd.s32 s4;
	_ =	sdelay $0x1  }
0xa1: {  	s23 =	simm.s32 $0x1B8B  }
0xa2: {  	_ =	swait.ge [sflag:s23], $0x1  }
0xa3: {  	[sflag:s23] =	ssyncset.done $0x0  }
0xa4: {  	s25 =	simm.s32 $0x1B8E;
	s24 =	sld [smem:$0x3FFE];
	[sflag:s23] =	ssyncadd.s32 $0xFFFFFFFF  }
0xa5: {  	s26 =	simm.s32 $execute0_lowered;
	[smem:$0x3FD2] =	sst s25  }
0xa6: {  	s5 =	sshll.u32 s26, $0x1;
	_ =	strace $0x80000046;
	[dreg:$0x1] =	wrdreg $0xFFFFFFFF  }
0xa7: {  	s28 =	simm.s32 $_size_execute0_lowered;
	s3 =	sadd.s32 s3, s5;
	[dreg:$0x0] =	wrdreg $0x0  }
0xa8: {  	s5 =	sshll.u32 s28, $0x1;
	[dreg:$0x2] =	wrdreg s3  }
0xa9: {  	[dreg:$0x3] =	wrdreg s5  }
0xaa: {  	[dreg:$0x4] =	wrdreg $0xC0  }
0xab: {  	_ =	task [dreg:s7], $0x5FFFF  }
0xac: {  	[dreg:$0x1] =	wrdreg $0xFFFFFFFF  }
0xad: {  	[dreg:$0x0] =	wrdreg $0x60  }
0xae: {  	[dreg:$0x2] =	wrdreg s24  }
0xaf: {  	[dreg:$0x3] =	wrdreg s2  }
0xb0: {  	[dreg:$0x4] =	wrdreg $0x72000  }
0xb1: {  	[dreg:$0x5] =	wrdreg $0x9  }
0xb2: {  	_ =	task.clear_ibuf [dreg:s7], $0x6FFFF;
	_ =	strace $0x90000046  }
0xb3: {  	s29 =	simm.s32 $0x9;
	_ =	strace $0x80000048  }
0xb4: {  	_ =	swait.ge [sflag:s29], $0x1  }
0xb5: {  	[sflag:s29] =	ssyncadd.s32 $0xFFFFFFFF  }
0xb6: {  	_ =	strace $0x90000048  }
0xb7: {  	_ =	sfence  }
0xb8: {  	s30 =	sld [smem:$0x0];
	_ =	sdelay $0x2  }
0xb9: {  	s31 =	sshll.u32 s1, $0xD;
	s1 =	sshrl.u32 s1, $0x2  }
0xba: {  	s3 =	sand.u32 $0x4000, s31;
	s1 =	sadd.s32 s1, s30  }
0xbb: {  	s0 =	sor.u32 s3, s0;
	s1 =	sshll.u32 s1, $0x11  }
0xbc: {  	s0 =	sor.u32 s1, s0  }
0xbd: {  	s0 =	sadd.s32 $0x8F2B, s0  }
0xbe: {  	[sflag:s0] =	ssyncadd.remote.s32 $0x1  }
0xbf: {  	_ =	sfence.sel $0xFFFF  }
0xc0: {  	[dreg:$0x0] =	wrdreg $0xFFFFFFFF;
	(pc) =	sbr.abs _section_cstart, $3  }
0xc1: {  	[dreg:$0x1] =	wrdreg $0xFFFFFFFF  }
0xc2: {  	_ =	task.clear_ibuf [dreg:s7], $0x2FFFF;
	_ =	strace $0x9FFFFFFF  }
0xc3: {  	(tm) =	ssettm $0x7FFFFFFF  }
tec
execute0_lowered:
.L_overlay_start_1:
0x0: {  	(tag) =	ssettag $0x1  }
0x1: {  	s5 =	rddreg [dreg:$0x0]  }
0x2: {  	s1 =	srdreg.scid;
	s8 =	rddreg [dreg:$0x1]  }
0x3: {  	s0 =	stileid.u32;
	s2 =	rddreg [dreg:$0x2];
	s3 =	simm.s32 $0x0  }
0x4: {  	s14 =	simm.s32 $0x80;
	s15 =	simm.s32 $0x3200;
	s16 =	simm.s32 $0x1  }
0x5: {  	s17 =	simm.s32 $0x5200;
	s18 =	simm.s32 $0x2;
	s19 =	simm.s32 $0x1880  }
0x6: {  	s20 =	simm.s32 $0x3100;
	s21 =	simm.s32 $0x3180;
	s22 =	simm.s32 $0x0  }
0x7: {  	s4 =	sand.u32 $0x1, s1;
	s29 =	sshll.u32 s0, $0x1;
	s1 =	rddreg [dreg:$0x3]  }
0x8: {  	[smem:$0x7FF] =	sst s3;
	s9 =	smul.u32 $0x320, s0;
	s30 =	sshll.u32 s0, $0xD  }
0x9: {  	s31 =	sshll.u32 s0, $0x6;
	s7 =	sor.u32 s4, s29;
	_ =	strace $0x80000047  }
0xa: {  	s10 =	ssub.s32 $0x2, s4;
	s4 =	sadd.s32 $0xAE00, s5;
	s13 =	sadd.s32 s30, s2  }
0xb: {  	s6 =	smul.u32 $0x320, s7;
	s9 =	sadd.s32 s9, s5;
	s11 =	sshrl.u32 s10, $0x1  }
0xc: {  	s12 =	sshll.u32 s7, $0xA;
	s13 =	sshrl.u32 s13, $0x3;
	s10 =	ssub.s32 s10, s11  }
0xd: {  	s7 =	sadd.s32 $0x7C00, s9;
	s8 =	sadd.s32 s8, s12;
	s11 =	simm.s32 $0x1900  }
0xe: {  	s12 =	sor.u32 $0x1C03, s31;
	s6 =	sadd.s32 s6, s5;
	s5 =	sadd.s32 $0xF43C00, s5  }
0xf: {  	s9 =	smax.u32 s10, $0x1;
	s10 =	simm.s32 $0x3;
	s6 =	sadd.s32 $0x1800, s6  }
.LBB2_1:
0x10: {  	[tilespmem:s3], [sflag:$0x3] =	stream.linear.gather [hbm4b:s6+s3], $0x1900, $0x38;
	[tilespmem:$0x9200] =	vst v63  }
0x11: {  	_ =	swait.ge [sflag:s10], $0x1900  }
0x12: {  	[sflag:s10] =	ssyncset.done $0x0  }
0x13: {  	[sflag:s10] =	ssyncadd.s32 $0xFFFFE700  }
0x14: {  	[tilespmem:s11], [sflag:$0x3] =	stream.linear.gather [hbm4b:s7+s3], $0x1900, $0x38;
	[tilespmem:$0x9200] =	vst v63  }
0x15: {  	_ =	swait.ge [sflag:s10], $0x1900  }
0x16: {  	[sflag:s10] =	ssyncset.done $0x0  }
0x17: {  	[sflag:s10] =	ssyncadd.s32 $0xFFFFE700  }
0x18: {  	[spmem:s13], [sflag:s12] =	dma.local [hbm:s4], $0x400  }
0x19: {  	_ =	swait.ge [sflag:s10], $0x400  }
0x1a: {  	[sflag:s10] =	ssyncset.done $0x0  }
0x1b: {  	[sflag:s10] =	ssyncadd.s32 $0xFFFFFC00  }
0x1c: {  	[tilespmem:s15], [sflag:$0x1] =	stream.indirect.gather [hbm4b:s5+s14], $0x40, s3, s14, $0xb8;
	[tilespmem:$0x9200] =	vst v63  }
0x1d: {  	_ =	swait.ge [sflag:s16], $0x2000  }
0x1e: {  	[sflag:s16] =	ssyncset.done $0x0  }
0x1f: {  	s23 =	simm.s32 $0x80;
	[sflag:s16] =	ssyncadd.s32 $0xFFFFE000  }
0x20: {  	[tilespmem:s17], [sflag:$0x2] =	stream.indirect.gather [hbm4b:s5+s14], $0x40, s23, s14, $0xb8;
	[tilespmem:$0x9200] =	vst v63  }
0x21: {  	s29 =	simm.s32 $0x1900  }
0x22: {  	[spmem:s2] =	stream.indirect.scatter.add.f32 [tilespmem:s15], [sflag:$0x3], $0x40, s29, s14, $0xb8;
	[tilespmem:$0x9200] =	vst v63  }
0x23: {  	_ =	swait.ge [sflag:s10], $0x2000  }
0x24: {  	[sflag:s10] =	ssyncset.done $0x0  }
0x25: {  	[sflag:s10] =	ssyncadd.s32 $0xFFFFE000  }
0x26: {  	_ =	swait.ge [sflag:s18], $0x2000  }
0x27: {  	[sflag:s18] =	ssyncset.done $0x0  }
0x28: {  	s30 =	simm.s32 $0x100;
	[sflag:s18] =	ssyncadd.s32 $0xFFFFE000  }
0x29: {  	[tilespmem:s15], [sflag:$0x1] =	stream.indirect.gather [hbm4b:s5+s14], $0x40, s30, s14, $0xb8;
	[tilespmem:$0x9200] =	vst v63  }
0x2a: {  	s31 =	simm.s32 $0x1980  }
0x2b: {  	[spmem:s2] =	stream.indirect.scatter.add.f32 [tilespmem:s17], [sflag:$0x3], $0x40, s31, s14, $0xb8;
	[tilespmem:$0x9200] =	vst v63  }
0x2c: {  	_ =	swait.ge [sflag:s10], $0x2000  }
0x2d: {  	[sflag:s10] =	ssyncset.done $0x0  }
0x2e: {  	[sflag:s10] =	ssyncadd.s32 $0xFFFFE000  }
0x2f: {  	_ =	swait.ge [sflag:s16], $0x2000  }
0x30: {  	s24 =	simm.s32 $0x800;
	s23 =	simm.s32 $0x100;
	[sflag:s16] =	ssyncset.done $0x0  }
.LBB2_2:
0x31: {  	s25 =	sadd.s32 $0x80, s23  }
0x32: {  	[sflag:s16] =	ssyncadd.s32 $0xFFFFE000;
	s26 =	smov.u32 s24;
	s28 =	sadd.s32 $0x400, s24  }
0x33: {  	[tilespmem:s17], [sflag:$0x2] =	stream.indirect.gather [hbm4b:s5+s14], $0x40, s25, s14, $0xb8;
	[tilespmem:$0x9200] =	vst v63  }
0x34: {  	p0 =	sne.s32 s24, $0x5C00;
	s24 =	sadd.s32 $0x1900, s23  }
0x35: {  	[spmem:s2] =	stream.indirect.scatter.add.f32 [tilespmem:s15], [sflag:$0x3], $0x40, s24, s14, $0xb8;
	[tilespmem:$0x9200] =	vst v63  }
0x36: {  	_ =	swait.ge [sflag:s10], $0x2000  }
0x37: {  	[sflag:s10] =	ssyncset.done $0x0  }
0x38: {  	[sflag:s10] =	ssyncadd.s32 $0xFFFFE000  }
0x39: {  	_ =	swait.ge [sflag:s18], $0x2000  }
0x3a: {  	[sflag:s18] =	ssyncset.done $0x0  }
0x3b: {  	s24 =	sadd.s32 $0x100, s23;
	[sflag:s18] =	ssyncadd.s32 $0xFFFFE000  }
0x3c: {  	[tilespmem:s15], [sflag:$0x1] =	stream.indirect.gather [hbm4b:s5+s14], $0x40, s24, s14, $0xb8;
	[tilespmem:$0x9200] =	vst v63  }
0x3d: {  	s23 =	sadd.s32 $0x1980, s23  }
0x3e: {  	[spmem:s2] =	stream.indirect.scatter.add.f32 [tilespmem:s17], [sflag:$0x3], $0x40, s23, s14, $0xb8;
	[tilespmem:$0x9200] =	vst v63  }
.Ltmp0:
0x3f: {  	_ =	swait.ge [sflag:s10], $0x2000;
	(pc) =	sbr.rel @p0 .LBB2_2-.Ltmp0, $4  }
0x40: {  	[sflag:s10] =	ssyncset.done $0x0  }
0x41: {  	[sflag:s10] =	ssyncadd.s32 $0xFFFFE000  }
0x42: {  	_ =	swait.ge [sflag:s16], $0x2000  }
0x43: {  	s24 =	smov.u32 s28;
	s23 =	sshra.s32 s26, $0x2;
	[sflag:s16] =	ssyncset.done $0x0  }
0x44: {  	s24 =	sadd.s32 $0x80, s23;
	[sflag:s16] =	ssyncadd.s32 $0xFFFFE000  }
0x45: {  	[tilespmem:s17], [sflag:$0x2] =	stream.indirect.gather [hbm4b:s5+s14], $0x40, s24, s14, $0xb8;
	[tilespmem:$0x9200] =	vst v63  }
0x46: {  	s29 =	sadd.s32 $0x1900, s23  }
0x47: {  	[spmem:s2] =	stream.indirect.scatter.add.f32 [tilespmem:s15], [sflag:$0x3], $0x40, s29, s14, $0xb8;
	[tilespmem:$0x9200] =	vst v63  }
0x48: {  	_ =	swait.ge [sflag:s10], $0x2000  }
0x49: {  	[sflag:s10] =	ssyncset.done $0x0  }
0x4a: {  	[sflag:s10] =	ssyncadd.s32 $0xFFFFE000  }
0x4b: {  	_ =	swait.ge [sflag:s18], $0x2000  }
0x4c: {  	[sflag:s18] =	ssyncset.done $0x0  }
0x4d: {  	s30 =	sadd.s32 $0x100, s23;
	[sflag:s18] =	ssyncadd.s32 $0xFFFFE000  }
0x4e: {  	[tilespmem:s15], [sflag:$0x1] =	stream.indirect.gather [hbm4b:s5+s14], $0x40, s30, s14, $0xb8;
	[tilespmem:$0x9200] =	vst v63  }
0x4f: {  	s31 =	sadd.s32 $0x1980, s23  }
0x50: {  	[spmem:s2] =	stream.indirect.scatter.add.f32 [tilespmem:s17], [sflag:$0x3], $0x40, s31, s14, $0xb8;
	[tilespmem:$0x9200] =	vst v63  }
0x51: {  	_ =	swait.ge [sflag:s10], $0x2000  }
0x52: {  	[sflag:s10] =	ssyncset.done $0x0  }
0x53: {  	[sflag:s10] =	ssyncadd.s32 $0xFFFFE000  }
0x54: {  	_ =	swait.ge [sflag:s16], $0x2000  }
0x55: {  	[sflag:s16] =	ssyncset.done $0x0  }
0x56: {  	[sflag:s16] =	ssyncadd.s32 $0xFFFFE000  }
0x57: {  	[tilespmem:s17], [sflag:$0x2] =	stream.indirect.gather [hbm4b:s5+s14], $0x40, s19, s14, $0xb8;
	[tilespmem:$0x9200] =	vst v63  }
0x58: {  	_ = 	snop  }
0x59: {  	[spmem:s2] =	stream.indirect.scatter.add.f32 [tilespmem:s15], [sflag:$0x3], $0x40, s20, s14, $0xb8;
	[tilespmem:$0x9200] =	vst v63  }
0x5a: {  	_ =	swait.ge [sflag:s10], $0x2000  }
0x5b: {  	[sflag:s10] =	ssyncset.done $0x0  }
0x5c: {  	[sflag:s10] =	ssyncadd.s32 $0xFFFFE000  }
0x5d: {  	_ =	swait.ge [sflag:s18], $0x2000  }
0x5e: {  	[sflag:s18] =	ssyncset.done $0x0  }
0x5f: {  	[sflag:s18] =	ssyncadd.s32 $0xFFFFE000  }
0x60: {  	[spmem:s2] =	stream.indirect.scatter.add.f32 [tilespmem:s17], [sflag:$0x3], $0x40, s21, s14, $0xb8;
	[tilespmem:$0x9200] =	vst v63  }
0x61: {  	s22 =	sadd.s32 $0x1, s22;
	_ =	swait.ge [sflag:s10], $0x2000  }
0x62: {  	p0 =	sne.s32 s22, s9;
	[sflag:s10] =	ssyncset.done $0x0  }
.Ltmp1:
0x63: {  	[sflag:s10] =	ssyncadd.s32 $0xFFFFE000;
	(pc) =	sbr.rel @p0 .LBB2_1-.Ltmp1, $4  }
0x64: {  	[hbm:s8], [sflag:s12] =	dma.local [spmem:s13], $0x400  }
0x65: {  	_ =	swait.ge [sflag:s10], $0x400  }
0x66: {  	[sflag:s10] =	ssyncset.done $0x0  }
0x67: {  	[sflag:s10] =	ssyncadd.s32 $0xFFFFFC00  }
0x68: {  	_ =	sfence.sel $0x180000  }
0x69: {  	[bflag:$0x0] =	sbarrier.arrive $0xFFFF  }
0x6a: {  	p0 =	sne.s32 s0, $0x0;
	_ =	strace $0x90000047  }
0x6b: {  	s0 =	sadd.s32 @!p0 $0x100000, s1;
	[bflag:$0x2] =	sbarrier.arrive $0xFFFF  }
0x6c: {  	[sflag:s0] =	ssyncadd.tile.s32 @!p0 $0x1;
	_ =	shalt  }
.Lfunc_end2:
_tile_overlayer_lowered:
.L_overlay_start_2:
0x6d: {  	(tag) =	ssettag $0x2  }
0x6e: {  	s0 =	rddreg [dreg:$0x0];
	s2 =	stileid.u32  }
0x6f: {  	s1 =	rddreg [dreg:$0x1];
	p0 =	sne.s32 s2, $0x0  }
0x70: {  	s3 =	rddreg [dreg:$0x2];
	[bflag:$0x3] =	sbarrier.arrive $0xFFFF;
	s2 =	simm.s32 @!p0 $0x1C03  }
0x71: {  	[timem:s3], [sflag:s2] =	dma.local @!p0 [hbm:s0], s1  }
0x72: {  	s0 =	simm.s32 @!p0 $0x3  }
0x73: {  	_ =	swait.ge @!p0 [sflag:s0], s1  }
0x74: {  	s1 =	ssub.s32 @!p0 $0x0, s1;
	[sflag:s0] =	ssyncset.done @!p0 $0x0  }
0x75: {  	[sflag:s0] =	ssyncadd.s32 @!p0 s1  }
0x76: {  	[bflag:$0x3] =	sbarrier.arrive $0xFFFF  }
0x77: {  	_ =	shalt  }

</sc_bundles>
